<compile_context>
chip_gen: v7x
topology: tpu7x:2x2x1
jax: 0.10.2.dev20260603
libtpu: 0.0.44.dev20260713+nightly
codegen_flags: <defaults>
</compile_context>

<pallas_src>
import functools

import jax
import jax.numpy as jnp
from jax import lax
from jax.experimental import pallas as pl
from jax.experimental.pallas import tpu as pltpu
from jax.experimental.pallas import tpu_sc as plsc

_N = 10000
_B = 640000
_NC = 2
_NS = 16
_NW = _NC * _NS
_BPW = _B // _NW
_L = 16


def _gather_body(z_hbm, r_hbm, c_hbm, out_hbm, r_v, c_v, idx_v, out_v, sem):
    wid = lax.axis_index("s") * _NC + lax.axis_index("c")
    base = wid * _BPW

    pltpu.sync_copy(r_hbm.at[pl.ds(base, _BPW)], r_v)
    pltpu.sync_copy(c_hbm.at[pl.ds(base, _BPW)], c_v)

    def flatten(i, carry):
        sl = pl.ds(i * _L, _L)
        idx_v[sl] = r_v[sl] * _N + c_v[sl]
        return carry

    lax.fori_loop(0, _BPW // _L, flatten, 0, unroll=8)

    pltpu.async_copy(z_hbm.at[idx_v], out_v, sem).wait()
    pltpu.sync_copy(out_v, out_hbm.at[pl.ds(base, _BPW)])


@jax.jit
def _reconstruct(zflat, rows, cols):
    mesh = plsc.VectorSubcoreMesh(core_axis_name="c", subcore_axis_name="s")
    return pl.kernel(
        _gather_body,
        mesh=mesh,
        out_type=jax.ShapeDtypeStruct((_B,), jnp.float32),
        scratch_types=[
            pltpu.VMEM((_BPW,), jnp.int32),
            pltpu.VMEM((_BPW,), jnp.int32),
            pltpu.VMEM((_BPW,), jnp.int32),
            pltpu.VMEM((_BPW,), jnp.float32),
            pltpu.SemaphoreType.DMA,
        ],
    )(zflat, rows, cols)


def kernel(z, edge_index):
    zflat = z.reshape(-1)
    return _reconstruct(zflat, edge_index[0], edge_index[1])

# --- scband reference (transcript-rebuilt; emitter-appended) ---
"""Pipeline reference for scband-reconstruct-86723979641370 (READ-ONLY COPY).

The authoritative reference and input builder live on the scoring server;
editing this copy changes nothing except your own understanding.
"""

import jax, jax.numpy as jnp
import numpy as np


def setup_inputs(seed: int = 0) -> dict:
    key = jax.random.key(seed)
    k1, k2 = jax.random.split(key)
    z = jax.random.normal(k1, (10000, 10000), dtype=jnp.float32)
    edge_index = jax.random.randint(k2, (2, 640000), 0, 10000, dtype=jnp.int32)
    return {"z": z, "edge_index": edge_index}


def reference(z, edge_index):
    # Faithful translation: advanced indexing gather of scalar entries
    # value = z[edge_index[0], edge_index[1]]
    value = z[edge_index[0], edge_index[1]]
    return value

if __name__ == "__main__":
    import jax
    _d = setup_inputs()
    print(jax.jit(kernel)(*tuple(_d.values())))

</pallas_src>

<mosaic_0001>
#map = affine_map<(d0, d1) -> (0)>
module attributes {stable_mosaic.version = 14 : i64} {
  func.func @_gather_body(%arg0: i32, %arg1: i32, %arg2: memref<100000000xf32, #tpu.memory_space<hbm>>, %arg3: memref<640000xi32, #tpu.memory_space<hbm>>, %arg4: memref<640000xi32, #tpu.memory_space<hbm>>, %arg5: memref<640000xf32, #tpu.memory_space<hbm>>, %arg6: memref<20000xi32, #tpu.memory_space<vmem>>, %arg7: memref<20000xi32, #tpu.memory_space<vmem>>, %arg8: memref<20000xi32, #tpu.memory_space<vmem>>, %arg9: memref<20000xf32, #tpu.memory_space<vmem>>, %arg10: memref<!tpu.dma_semaphore, #tpu.memory_space<semaphore_mem>>) attributes {dimension_semantics = [#tpu.dimension_semantics<core_parallel>, #tpu.dimension_semantics<subcore_parallel>], iteration_bounds = array<i64: 2, 16>, scalar_prefetch = 0 : i64, scratch_operands = 5 : i64, tpu.core_type = #tpu.core_type<sc_vector_subcore>, window_params = [{transform_indices = #map}, {transform_indices = #map}, {transform_indices = #map}, {transform_indices = #map}]} {
    %mul3A = arith.constant 2 : i32
    %mul3A_0 = arith.muli %arg1, %mul3A : i32
    %add3A = arith.addi %mul3A_0, %arg0 : i32
    %mul3A_1 = arith.constant 20000 : i32
    %mul3A_2 = arith.muli %add3A, %mul3A_1 : i32
    "tpu.region"() ({
      %run_scoped3A = tpu.sem_alloc : memref<!tpu.dma_semaphore, #tpu.memory_space<semaphore_mem>>
      %dma_start3A_44 = tpu.memref_slice %arg3[%mul3A_2] : memref<640000xi32, #tpu.memory_space<hbm>> -> memref<20000xi32, #tpu.memory_space<hbm>>
      %dma_start3A_45 = tpu.memref_slice %arg3[%mul3A_2] : memref<640000xi32, #tpu.memory_space<hbm>> -> memref<20000xi32, #tpu.memory_space<hbm>>
      tpu.enqueue_dma source(%dma_start3A_45 : memref<20000xi32, #tpu.memory_space<hbm>>) target(%arg6 : memref<20000xi32, #tpu.memory_space<vmem>>) target_semaphore(%run_scoped3A : memref<!tpu.dma_semaphore, #tpu.memory_space<semaphore_mem>>)
      %dma_wait3A_46 = tpu.memref_slice %arg3[%mul3A_2] : memref<640000xi32, #tpu.memory_space<hbm>> -> memref<20000xi32, #tpu.memory_space<hbm>>
      %dma_wait3A_47 = tpu.memref_slice %arg3[%mul3A_2] : memref<640000xi32, #tpu.memory_space<hbm>> -> memref<20000xi32, #tpu.memory_space<hbm>>
      tpu.wait_dma2 semaphore(%run_scoped3A : memref<!tpu.dma_semaphore, #tpu.memory_space<semaphore_mem>>) src(%dma_wait3A_47 : memref<20000xi32, #tpu.memory_space<hbm>>) dst(%arg6 : memref<20000xi32, #tpu.memory_space<vmem>>)
      tpu.yield
    }) : () -> ()
    "tpu.region"() ({
      %run_scoped3A = tpu.sem_alloc : memref<!tpu.dma_semaphore, #tpu.memory_space<semaphore_mem>>
      %dma_start3A_44 = tpu.memref_slice %arg4[%mul3A_2] : memref<640000xi32, #tpu.memory_space<hbm>> -> memref<20000xi32, #tpu.memory_space<hbm>>
      %dma_start3A_45 = tpu.memref_slice %arg4[%mul3A_2] : memref<640000xi32, #tpu.memory_space<hbm>> -> memref<20000xi32, #tpu.memory_space<hbm>>
      tpu.enqueue_dma source(%dma_start3A_45 : memref<20000xi32, #tpu.memory_space<hbm>>) target(%arg7 : memref<20000xi32, #tpu.memory_space<vmem>>) target_semaphore(%run_scoped3A : memref<!tpu.dma_semaphore, #tpu.memory_space<semaphore_mem>>)
      %dma_wait3A_46 = tpu.memref_slice %arg4[%mul3A_2] : memref<640000xi32, #tpu.memory_space<hbm>> -> memref<20000xi32, #tpu.memory_space<hbm>>
      %dma_wait3A_47 = tpu.memref_slice %arg4[%mul3A_2] : memref<640000xi32, #tpu.memory_space<hbm>> -> memref<20000xi32, #tpu.memory_space<hbm>>
      tpu.wait_dma2 semaphore(%run_scoped3A : memref<!tpu.dma_semaphore, #tpu.memory_space<semaphore_mem>>) src(%dma_wait3A_47 : memref<20000xi32, #tpu.memory_space<hbm>>) dst(%arg7 : memref<20000xi32, #tpu.memory_space<vmem>>)
      tpu.yield
    }) : () -> ()
    %scan3A = arith.constant 0 : i32
    %scan3A_3 = arith.constant 0 : i32
    %scan3A_4 = arith.constant 1248 : i32
    %scan3A_5 = arith.addi %scan3A_3, %scan3A_4 : i32
    %scan3A_6 = arith.constant 8 : i32
    scf.for %scan3A_44 = %scan3A_3 to %scan3A_5 step %scan3A_6  : i32 {
      %mul3A_45 = arith.constant 16 : i32
      %mul3A_46 = arith.muli %scan3A_44, %mul3A_45 : i32
      %get3A_47 = arith.index_cast %mul3A_46 : i32 to index
      %get3A_48 = tpu.vector_load %arg6[%get3A_47] {strides = array<i32>} : memref<20000xi32, #tpu.memory_space<vmem>>, vector<16xi32>,
      %get3A_49 = vector.shape_cast %get3A_48 : vector<16xi32> to vector<16xi32>
      %mul3A_50 = arith.constant 10000 : i32
      %mul3A_51 = vector.broadcast %mul3A_50 : i32 to vector<16xi32>
      %mul3A_52 = arith.muli %get3A_49, %mul3A_51 : vector<16xi32>
      %get3A_53 = arith.index_cast %mul3A_46 : i32 to index
      %get3A_54 = tpu.vector_load %arg7[%get3A_53] {strides = array<i32>} : memref<20000xi32, #tpu.memory_space<vmem>>, vector<16xi32>,
      %get3A_55 = vector.shape_cast %get3A_54 : vector<16xi32> to vector<16xi32>
      %add3A_56 = arith.addi %mul3A_52, %get3A_55 : vector<16xi32>
      %swap3A_57 = arith.index_cast %mul3A_46 : i32 to index
      %swap3A_58 = tpu.vector_load %arg8[%swap3A_57] {strides = array<i32>} : memref<20000xi32, #tpu.memory_space<vmem>>, vector<16xi32>,
      %swap3A_59 = vector.shape_cast %swap3A_58 : vector<16xi32> to vector<16xi32>
      %swap3A_60 = vector.shape_cast %add3A_56 : vector<16xi32> to vector<16xi32>
      tpu.vector_store %arg8[%swap3A_57], %swap3A_60 {strides = array<i32>} : memref<20000xi32, #tpu.memory_space<vmem>>, vector<16xi32>,
      %scan3A_61 = arith.constant 1 : i32
      %scan3A_62 = arith.addi %scan3A_44, %scan3A_61 : i32
      %mul3A_63 = arith.constant 16 : i32
      %mul3A_64 = arith.muli %scan3A_62, %mul3A_63 : i32
      %get3A_65 = arith.index_cast %mul3A_64 : i32 to index
      %get3A_66 = tpu.vector_load %arg6[%get3A_65] {strides = array<i32>} : memref<20000xi32, #tpu.memory_space<vmem>>, vector<16xi32>,
      %get3A_67 = vector.shape_cast %get3A_66 : vector<16xi32> to vector<16xi32>
      %mul3A_68 = arith.constant 10000 : i32
      %mul3A_69 = vector.broadcast %mul3A_68 : i32 to vector<16xi32>
      %mul3A_70 = arith.muli %get3A_67, %mul3A_69 : vector<16xi32>
      %get3A_71 = arith.index_cast %mul3A_64 : i32 to index
      %get3A_72 = tpu.vector_load %arg7[%get3A_71] {strides = array<i32>} : memref<20000xi32, #tpu.memory_space<vmem>>, vector<16xi32>,
      %get3A_73 = vector.shape_cast %get3A_72 : vector<16xi32> to vector<16xi32>
      %add3A_74 = arith.addi %mul3A_70, %get3A_73 : vector<16xi32>
      %swap3A_75 = arith.index_cast %mul3A_64 : i32 to index
      %swap3A_76 = tpu.vector_load %arg8[%swap3A_75] {strides = array<i32>} : memref<20000xi32, #tpu.memory_space<vmem>>, vector<16xi32>,
      %swap3A_77 = vector.shape_cast %swap3A_76 : vector<16xi32> to vector<16xi32>
      %swap3A_78 = vector.shape_cast %add3A_74 : vector<16xi32> to vector<16xi32>
      tpu.vector_store %arg8[%swap3A_75], %swap3A_78 {strides = array<i32>} : memref<20000xi32, #tpu.memory_space<vmem>>, vector<16xi32>,
      %scan3A_79 = arith.constant 2 : i32
      %scan3A_80 = arith.addi %scan3A_44, %scan3A_79 : i32
      %mul3A_81 = arith.constant 16 : i32
      %mul3A_82 = arith.muli %scan3A_80, %mul3A_81 : i32
      %get3A_83 = arith.index_cast %mul3A_82 : i32 to index
      %get3A_84 = tpu.vector_load %arg6[%get3A_83] {strides = array<i32>} : memref<20000xi32, #tpu.memory_space<vmem>>, vector<16xi32>,
      %get3A_85 = vector.shape_cast %get3A_84 : vector<16xi32> to vector<16xi32>
      %mul3A_86 = arith.constant 10000 : i32
      %mul3A_87 = vector.broadcast %mul3A_86 : i32 to vector<16xi32>
      %mul3A_88 = arith.muli %get3A_85, %mul3A_87 : vector<16xi32>
      %get3A_89 = arith.index_cast %mul3A_82 : i32 to index
      %get3A_90 = tpu.vector_load %arg7[%get3A_89] {strides = array<i32>} : memref<20000xi32, #tpu.memory_space<vmem>>, vector<16xi32>,
      %get3A_91 = vector.shape_cast %get3A_90 : vector<16xi32> to vector<16xi32>
      %add3A_92 = arith.addi %mul3A_88, %get3A_91 : vector<16xi32>
      %swap3A_93 = arith.index_cast %mul3A_82 : i32 to index
      %swap3A_94 = tpu.vector_load %arg8[%swap3A_93] {strides = array<i32>} : memref<20000xi32, #tpu.memory_space<vmem>>, vector<16xi32>,
      %swap3A_95 = vector.shape_cast %swap3A_94 : vector<16xi32> to vector<16xi32>
      %swap3A_96 = vector.shape_cast %add3A_92 : vector<16xi32> to vector<16xi32>
      tpu.vector_store %arg8[%swap3A_93], %swap3A_96 {strides = array<i32>} : memref<20000xi32, #tpu.memory_space<vmem>>, vector<16xi32>,
      %scan3A_97 = arith.constant 3 : i32
      %scan3A_98 = arith.addi %scan3A_44, %scan3A_97 : i32
      %mul3A_99 = arith.constant 16 : i32
      %mul3A_100 = arith.muli %scan3A_98, %mul3A_99 : i32
      %get3A_101 = arith.index_cast %mul3A_100 : i32 to index
      %get3A_102 = tpu.vector_load %arg6[%get3A_101] {strides = array<i32>} : memref<20000xi32, #tpu.memory_space<vmem>>, vector<16xi32>,
      %get3A_103 = vector.shape_cast %get3A_102 : vector<16xi32> to vector<16xi32>
      %mul3A_104 = arith.constant 10000 : i32
      %mul3A_105 = vector.broadcast %mul3A_104 : i32 to vector<16xi32>
      %mul3A_106 = arith.muli %get3A_103, %mul3A_105 : vector<16xi32>
      %get3A_107 = arith.index_cast %mul3A_100 : i32 to index
      %get3A_108 = tpu.vector_load %arg7[%get3A_107] {strides = array<i32>} : memref<20000xi32, #tpu.memory_space<vmem>>, vector<16xi32>,
      %get3A_109 = vector.shape_cast %get3A_108 : vector<16xi32> to vector<16xi32>
      %add3A_110 = arith.addi %mul3A_106, %get3A_109 : vector<16xi32>
      %swap3A_111 = arith.index_cast %mul3A_100 : i32 to index
      %swap3A_112 = tpu.vector_load %arg8[%swap3A_111] {strides = array<i32>} : memref<20000xi32, #tpu.memory_space<vmem>>, vector<16xi32>,
      %swap3A_113 = vector.shape_cast %swap3A_112 : vector<16xi32> to vector<16xi32>
      %swap3A_114 = vector.shape_cast %add3A_110 : vector<16xi32> to vector<16xi32>
      tpu.vector_store %arg8[%swap3A_111], %swap3A_114 {strides = array<i32>} : memref<20000xi32, #tpu.memory_space<vmem>>, vector<16xi32>,
      %scan3A_115 = arith.constant 4 : i32
      %scan3A_116 = arith.addi %scan3A_44, %scan3A_115 : i32
      %mul3A_117 = arith.constant 16 : i32
      %mul3A_118 = arith.muli %scan3A_116, %mul3A_117 : i32
      %get3A_119 = arith.index_cast %mul3A_118 : i32 to index
      %get3A_120 = tpu.vector_load %arg6[%get3A_119] {strides = array<i32>} : memref<20000xi32, #tpu.memory_space<vmem>>, vector<16xi32>,
      %get3A_121 = vector.shape_cast %get3A_120 : vector<16xi32> to vector<16xi32>
      %mul3A_122 = arith.constant 10000 : i32
      %mul3A_123 = vector.broadcast %mul3A_122 : i32 to vector<16xi32>
      %mul3A_124 = arith.muli %get3A_121, %mul3A_123 : vector<16xi32>
      %get3A_125 = arith.index_cast %mul3A_118 : i32 to index
      %get3A_126 = tpu.vector_load %arg7[%get3A_125] {strides = array<i32>} : memref<20000xi32, #tpu.memory_space<vmem>>, vector<16xi32>,
      %get3A_127 = vector.shape_cast %get3A_126 : vector<16xi32> to vector<16xi32>
      %add3A_128 = arith.addi %mul3A_124, %get3A_127 : vector<16xi32>
      %swap3A_129 = arith.index_cast %mul3A_118 : i32 to index
      %swap3A_130 = tpu.vector_load %arg8[%swap3A_129] {strides = array<i32>} : memref<20000xi32, #tpu.memory_space<vmem>>, vector<16xi32>,
      %swap3A_131 = vector.shape_cast %swap3A_130 : vector<16xi32> to vector<16xi32>
      %swap3A_132 = vector.shape_cast %add3A_128 : vector<16xi32> to vector<16xi32>
      tpu.vector_store %arg8[%swap3A_129], %swap3A_132 {strides = array<i32>} : memref<20000xi32, #tpu.memory_space<vmem>>, vector<16xi32>,
      %scan3A_133 = arith.constant 5 : i32
      %scan3A_134 = arith.addi %scan3A_44, %scan3A_133 : i32
      %mul3A_135 = arith.constant 16 : i32
      %mul3A_136 = arith.muli %scan3A_134, %mul3A_135 : i32
      %get3A_137 = arith.index_cast %mul3A_136 : i32 to index
      %get3A_138 = tpu.vector_load %arg6[%get3A_137] {strides = array<i32>} : memref<20000xi32, #tpu.memory_space<vmem>>, vector<16xi32>,
      %get3A_139 = vector.shape_cast %get3A_138 : vector<16xi32> to vector<16xi32>
      %mul3A_140 = arith.constant 10000 : i32
      %mul3A_141 = vector.broadcast %mul3A_140 : i32 to vector<16xi32>
      %mul3A_142 = arith.muli %get3A_139, %mul3A_141 : vector<16xi32>
      %get3A_143 = arith.index_cast %mul3A_136 : i32 to index
      %get3A_144 = tpu.vector_load %arg7[%get3A_143] {strides = array<i32>} : memref<20000xi32, #tpu.memory_space<vmem>>, vector<16xi32>,
      %get3A_145 = vector.shape_cast %get3A_144 : vector<16xi32> to vector<16xi32>
      %add3A_146 = arith.addi %mul3A_142, %get3A_145 : vector<16xi32>
      %swap3A_147 = arith.index_cast %mul3A_136 : i32 to index
      %swap3A_148 = tpu.vector_load %arg8[%swap3A_147] {strides = array<i32>} : memref<20000xi32, #tpu.memory_space<vmem>>, vector<16xi32>,
      %swap3A_149 = vector.shape_cast %swap3A_148 : vector<16xi32> to vector<16xi32>
      %swap3A_150 = vector.shape_cast %add3A_146 : vector<16xi32> to vector<16xi32>
      tpu.vector_store %arg8[%swap3A_147], %swap3A_150 {strides = array<i32>} : memref<20000xi32, #tpu.memory_space<vmem>>, vector<16xi32>,
      %scan3A_151 = arith.constant 6 : i32
      %scan3A_152 = arith.addi %scan3A_44, %scan3A_151 : i32
      %mul3A_153 = arith.constant 16 : i32
      %mul3A_154 = arith.muli %scan3A_152, %mul3A_153 : i32
      %get3A_155 = arith.index_cast %mul3A_154 : i32 to index
      %get3A_156 = tpu.vector_load %arg6[%get3A_155] {strides = array<i32>} : memref<20000xi32, #tpu.memory_space<vmem>>, vector<16xi32>,
      %get3A_157 = vector.shape_cast %get3A_156 : vector<16xi32> to vector<16xi32>
      %mul3A_158 = arith.constant 10000 : i32
      %mul3A_159 = vector.broadcast %mul3A_158 : i32 to vector<16xi32>
      %mul3A_160 = arith.muli %get3A_157, %mul3A_159 : vector<16xi32>
      %get3A_161 = arith.index_cast %mul3A_154 : i32 to index
      %get3A_162 = tpu.vector_load %arg7[%get3A_161] {strides = array<i32>} : memref<20000xi32, #tpu.memory_space<vmem>>, vector<16xi32>,
      %get3A_163 = vector.shape_cast %get3A_162 : vector<16xi32> to vector<16xi32>
      %add3A_164 = arith.addi %mul3A_160, %get3A_163 : vector<16xi32>
      %swap3A_165 = arith.index_cast %mul3A_154 : i32 to index
      %swap3A_166 = tpu.vector_load %arg8[%swap3A_165] {strides = array<i32>} : memref<20000xi32, #tpu.memory_space<vmem>>, vector<16xi32>,
      %swap3A_167 = vector.shape_cast %swap3A_166 : vector<16xi32> to vector<16xi32>
      %swap3A_168 = vector.shape_cast %add3A_164 : vector<16xi32> to vector<16xi32>
      tpu.vector_store %arg8[%swap3A_165], %swap3A_168 {strides = array<i32>} : memref<20000xi32, #tpu.memory_space<vmem>>, vector<16xi32>,
      %scan3A_169 = arith.constant 7 : i32
      %scan3A_170 = arith.addi %scan3A_44, %scan3A_169 : i32
      %mul3A_171 = arith.constant 16 : i32
      %mul3A_172 = arith.muli %scan3A_170, %mul3A_171 : i32
      %get3A_173 = arith.index_cast %mul3A_172 : i32 to index
      %get3A_174 = tpu.vector_load %arg6[%get3A_173] {strides = array<i32>} : memref<20000xi32, #tpu.memory_space<vmem>>, vector<16xi32>,
      %get3A_175 = vector.shape_cast %get3A_174 : vector<16xi32> to vector<16xi32>
      %mul3A_176 = arith.constant 10000 : i32
      %mul3A_177 = vector.broadcast %mul3A_176 : i32 to vector<16xi32>
      %mul3A_178 = arith.muli %get3A_175, %mul3A_177 : vector<16xi32>
      %get3A_179 = arith.index_cast %mul3A_172 : i32 to index
      %get3A_180 = tpu.vector_load %arg7[%get3A_179] {strides = array<i32>} : memref<20000xi32, #tpu.memory_space<vmem>>, vector<16xi32>,
      %get3A_181 = vector.shape_cast %get3A_180 : vector<16xi32> to vector<16xi32>
      %add3A_182 = arith.addi %mul3A_178, %get3A_181 : vector<16xi32>
      %swap3A_183 = arith.index_cast %mul3A_172 : i32 to index
      %swap3A_184 = tpu.vector_load %arg8[%swap3A_183] {strides = array<i32>} : memref<20000xi32, #tpu.memory_space<vmem>>, vector<16xi32>,
      %swap3A_185 = vector.shape_cast %swap3A_184 : vector<16xi32> to vector<16xi32>
      %swap3A_186 = vector.shape_cast %add3A_182 : vector<16xi32> to vector<16xi32>
      tpu.vector_store %arg8[%swap3A_183], %swap3A_186 {strides = array<i32>} : memref<20000xi32, #tpu.memory_space<vmem>>, vector<16xi32>,
    }
    %scan3A_7 = arith.constant 1248 : i32
    %scan3A_8 = arith.addi %scan3A_3, %scan3A_7 : i32
    %mul3A_9 = arith.constant 16 : i32
    %mul3A_10 = arith.muli %scan3A_8, %mul3A_9 : i32
    %get3A = arith.index_cast %mul3A_10 : i32 to index
    %get3A_11 = tpu.vector_load %arg6[%get3A] {strides = array<i32>} : memref<20000xi32, #tpu.memory_space<vmem>>, vector<16xi32>,
    %get3A_12 = vector.shape_cast %get3A_11 : vector<16xi32> to vector<16xi32>
    %mul3A_13 = arith.constant 10000 : i32
    %mul3A_14 = vector.broadcast %mul3A_13 : i32 to vector<16xi32>
    %mul3A_15 = arith.muli %get3A_12, %mul3A_14 : vector<16xi32>
    %get3A_16 = arith.index_cast %mul3A_10 : i32 to index
    %get3A_17 = tpu.vector_load %arg7[%get3A_16] {strides = array<i32>} : memref<20000xi32, #tpu.memory_space<vmem>>, vector<16xi32>,
    %get3A_18 = vector.shape_cast %get3A_17 : vector<16xi32> to vector<16xi32>
    %add3A_19 = arith.addi %mul3A_15, %get3A_18 : vector<16xi32>
    %swap3A = arith.index_cast %mul3A_10 : i32 to index
    %swap3A_20 = tpu.vector_load %arg8[%swap3A] {strides = array<i32>} : memref<20000xi32, #tpu.memory_space<vmem>>, vector<16xi32>,
    %swap3A_21 = vector.shape_cast %swap3A_20 : vector<16xi32> to vector<16xi32>
    %swap3A_22 = vector.shape_cast %add3A_19 : vector<16xi32> to vector<16xi32>
    tpu.vector_store %arg8[%swap3A], %swap3A_22 {strides = array<i32>} : memref<20000xi32, #tpu.memory_space<vmem>>, vector<16xi32>,
    %scan3A_23 = arith.constant 1249 : i32
    %scan3A_24 = arith.addi %scan3A_3, %scan3A_23 : i32
    %mul3A_25 = arith.constant 16 : i32
    %mul3A_26 = arith.muli %scan3A_24, %mul3A_25 : i32
    %get3A_27 = arith.index_cast %mul3A_26 : i32 to index
    %get3A_28 = tpu.vector_load %arg6[%get3A_27] {strides = array<i32>} : memref<20000xi32, #tpu.memory_space<vmem>>, vector<16xi32>,
    %get3A_29 = vector.shape_cast %get3A_28 : vector<16xi32> to vector<16xi32>
    %mul3A_30 = arith.constant 10000 : i32
    %mul3A_31 = vector.broadcast %mul3A_30 : i32 to vector<16xi32>
    %mul3A_32 = arith.muli %get3A_29, %mul3A_31 : vector<16xi32>
    %get3A_33 = arith.index_cast %mul3A_26 : i32 to index
    %get3A_34 = tpu.vector_load %arg7[%get3A_33] {strides = array<i32>} : memref<20000xi32, #tpu.memory_space<vmem>>, vector<16xi32>,
    %get3A_35 = vector.shape_cast %get3A_34 : vector<16xi32> to vector<16xi32>
    %add3A_36 = arith.addi %mul3A_32, %get3A_35 : vector<16xi32>
    %swap3A_37 = arith.index_cast %mul3A_26 : i32 to index
    %swap3A_38 = tpu.vector_load %arg8[%swap3A_37] {strides = array<i32>} : memref<20000xi32, #tpu.memory_space<vmem>>, vector<16xi32>,
    %swap3A_39 = vector.shape_cast %swap3A_38 : vector<16xi32> to vector<16xi32>
    %swap3A_40 = vector.shape_cast %add3A_36 : vector<16xi32> to vector<16xi32>
    tpu.vector_store %arg8[%swap3A_37], %swap3A_40 {strides = array<i32>} : memref<20000xi32, #tpu.memory_space<vmem>>, vector<16xi32>,
    %scan3A_41 = arith.constant 1250 : i32
    %dma_start3A = arith.constant 0 : i32
    %dma_start3A_42 = tpu.memref_slice %arg2[%dma_start3A] : memref<100000000xf32, #tpu.memory_space<hbm>> -> memref<100000000xf32, #tpu.memory_space<hbm>>
    tpu.enqueue_indirect_dma source(%dma_start3A_42 : memref<100000000xf32, #tpu.memory_space<hbm>>) target(%arg9 : memref<20000xf32, #tpu.memory_space<vmem>>) offsets(%arg8 : memref<20000xi32, #tpu.memory_space<vmem>>) semaphore(%arg10 : memref<!tpu.dma_semaphore, #tpu.memory_space<semaphore_mem>>)
    %dma_wait3A = arith.constant 0 : i32
    %dma_wait3A_43 = tpu.memref_slice %arg2[%dma_wait3A] : memref<100000000xf32, #tpu.memory_space<hbm>> -> memref<100000000xf32, #tpu.memory_space<hbm>>
    tpu.wait_indirect_dma semaphore(%arg10 : memref<!tpu.dma_semaphore, #tpu.memory_space<semaphore_mem>>) src(%dma_wait3A_43 : memref<100000000xf32, #tpu.memory_space<hbm>>) dst(%arg9 : memref<20000xf32, #tpu.memory_space<vmem>>)
    "tpu.region"() ({
      %run_scoped3A = tpu.sem_alloc : memref<!tpu.dma_semaphore, #tpu.memory_space<semaphore_mem>>
      %dma_start3A_44 = tpu.memref_slice %arg5[%mul3A_2] : memref<640000xf32, #tpu.memory_space<hbm>> -> memref<20000xf32, #tpu.memory_space<hbm>>
      %dma_start3A_45 = tpu.memref_slice %arg5[%mul3A_2] : memref<640000xf32, #tpu.memory_space<hbm>> -> memref<20000xf32, #tpu.memory_space<hbm>>
      tpu.enqueue_dma source(%arg9 : memref<20000xf32, #tpu.memory_space<vmem>>) target(%dma_start3A_45 : memref<20000xf32, #tpu.memory_space<hbm>>) target_semaphore(%run_scoped3A : memref<!tpu.dma_semaphore, #tpu.memory_space<semaphore_mem>>)
      %dma_wait3A_46 = tpu.memref_slice %arg5[%mul3A_2] : memref<640000xf32, #tpu.memory_space<hbm>> -> memref<20000xf32, #tpu.memory_space<hbm>>
      %dma_wait3A_47 = tpu.memref_slice %arg5[%mul3A_2] : memref<640000xf32, #tpu.memory_space<hbm>> -> memref<20000xf32, #tpu.memory_space<hbm>>
      tpu.wait_dma2 semaphore(%run_scoped3A : memref<!tpu.dma_semaphore, #tpu.memory_space<semaphore_mem>>) src(%arg9 : memref<20000xf32, #tpu.memory_space<vmem>>) dst(%dma_wait3A_47 : memref<20000xf32, #tpu.memory_space<hbm>>)
      tpu.yield
    }) : () -> ()
    return
  }
}

</mosaic_0001>

<sc_bundles>
// kernel: _reconstruct.3.cloned.1.call-start
scs
__scs_entry_jumppad:
0x0: {  	(pc) =	sbr.rel $0x88, $3  }
0x1: {  	(tag) =	ssettag $0x0;
	lr =	simm.s32 $0x1  }
0x2: {  	[smem:$0x3F9E] =	sst lr;
	_ =	strace $0xD0000000  }
0x3: {  	_ = 	snop  }
0x4: {  	_ = 	snop  }
0x5: {  	_ = 	snop  }
0x6: {  	_ = 	snop  }
0x7: {  	_ = 	snop  }
__scs_overlays_trampoline_lowered:
0x8: {  	[smem:$0x3FAD] =	sst s0  }
0x9: {  	[smem:$0x3FAE] =	sst s1  }
0xa: {  	[smem:$0x3FAF] =	sst s2  }
0xb: {  	[smem:$0x3FB0] =	sst s3  }
0xc: {  	[smem:$0x3FB1] =	sst s4  }
0xd: {  	[smem:$0x3FB2] =	sst s5  }
0xe: {  	[smem:$0x3FB3] =	sst s6  }
0xf: {  	[smem:$0x3FB4] =	sst s7  }
0x10: {  	[smem:$0x3FB5] =	sst s8  }
0x11: {  	[smem:$0x3FB6] =	sst s9;
	s0 =	simm.s32 @!p0 $0x0  }
0x12: {  	s1 =	sld [smem:$0x3F9C];
	s0 =	simm.s32 @p0 $0x1  }
0x13: {  	[smem:$0x3FB7] =	sst s0;
	s0 =	simm.s32 @!p1 $0x0  }
0x14: {  	s2 =	sld [smem:$0x3F9B];
	s0 =	simm.s32 @p1 $0x1  }
0x15: {  	[smem:$0x3FB8] =	sst s0;
	s0 =	simm.s32 @!p2 $0x0  }
0x16: {  	s3 =	sld [smem:$0x3FDB];
	s0 =	simm.s32 @p2 $0x1  }
0x17: {  	s4 =	simm.s32 $0x1BF5;
	[smem:$0x3FBA] =	sst s0  }
0x18: {  	s0 =	sld [smem:$0x3F9D];
	_ =	swait.ge [sflag:s4], $0x0  }
0x19: {  	s7 =	sld [smem:$0x3F9E]  }
0x1a: {  	s8 =	sadd.s32 $0xFFFFE003, lr  }
0x1b: {  	s9 =	sadd.s32 $0xFFFFFEF7, lr;
	s5 =	simm.s32 $0xFFFFFFFF;
	p2 =	slt.u32 s8, $0xFFFFF086  }
0x1c: {  	p1 =	slt.u32 s9, $0xF7A;
	s5 =	simm.s32 @!p2 $0x0  }
0x1d: {  	s5 =	simm.s32 @p1 $0x1;
	p0 =	seq.s32 s7, s2  }
0x1e: {  	s7 =	smul.u32 @!p0 $0xF7A, s2;
	p2 =	seq.s32 @!p0 s5, $0x0  }
0x1f: {  	s9 =	smul.u32 $0xF7A, s1;
	s8 =	simm.s32 @!p0 $0x1BF5;
	p2 =	por !p2, p0  }
0x20: {  	[sflag:s8] =	ssyncset.s32 @!p0 $0xFFFFF086;
	s6 =	sadd.s32 @!p0 s3, s7;
	s7 =	simm.s32 @!p0 $0x108  }
0x21: {  	s3 =	sadd.s32 s3, s9;
	s6 =	sadd.s32 @!p0 $0x88, s6;
	s7 =	simm.s32 @p2 $0x1082  }
0x22: {  	[simem:s7], [sflag:s8] =	dma.local @!p0 [hbm:s6], $0xF7A  }
0x23: {  	s9 =	sor.u32 $0xD0000000, s2;
	s6 =	simm.s32 $0x108;
	_ =	swait.ge @!p0 [sflag:s8], $0x0  }
0x24: {  	s3 =	sadd.s32 $0x88, s3;
	s6 =	simm.s32 @!p1 $0x1082;
	[sflag:s4] =	ssyncset.s32 $0xFFFFF086  }
0x25: {  	[simem:s6], [sflag:s4] =	dma.local [hbm:s3], $0xF7A  }
0x26: {  	[smem:$0x3F9E] =	sst s1;
	(tag) =	ssettag s2;
	_ =	strace s9  }
0x27: {  	s1 =	sld [smem:$0x3FAE]  }
0x28: {  	s2 =	sld [smem:$0x3FAF]  }
0x29: {  	s4 =	sld [smem:$0x3FB1]  }
0x2a: {  	p0 =	seq.s32 s5, $0x0;
	s5 =	sld [smem:$0x3FB2]  }
0x2b: {  	s6 =	sld [smem:$0x3FB3]  }
0x2c: {  	s7 =	sld [smem:$0x3FB4]  }
0x2d: {  	s3 =	simm.s32 $0x108;
	s8 =	sld [smem:$0x3FB5]  }
0x2e: {  	s3 =	simm.s32 @!p0 $0x1082;
	s9 =	sld [smem:$0x3FB6]  }
0x2f: {  	lr =	sadd.s32 s0, s3;
	s0 =	sld [smem:$0x3FAD]  }
0x30: {  	s3 =	sld [smem:$0x3FB0]  }
0x31: {  	[smem:$0x3FB9] =	sst s10  }
0x32: {  	s10 =	sld [smem:$0x3FB7];
	_ =	sdelay $0x3  }
0x33: {  	p0 =	seq.s32 s10, $0x1;
	s10 =	sld [smem:$0x3FB9];
	_ =	sdelay $0x3  }
0x34: {  	[smem:$0x3FB9] =	sst s10  }
0x35: {  	s10 =	sld [smem:$0x3FB8];
	_ =	sdelay $0x3  }
0x36: {  	p1 =	seq.s32 s10, $0x1;
	s10 =	sld [smem:$0x3FB9];
	_ =	sdelay $0x3  }
0x37: {  	[smem:$0x3FB9] =	sst s10  }
0x38: {  	s10 =	sld [smem:$0x3FBA]  }
0x39: {  	_ = 	snop;
	(pc) =	sbr.ind lr, $3  }
0x3a: {  	_ = 	snop  }
0x3b: {  	_ = 	snop  }
0x3c: {  	p2 =	seq.s32 s10, $0x1;
	s10 =	sld [smem:$0x3FB9]  }
0x3d: {  	_ =	shalt  }
0x3e: {  	_ =	shalt  }
0x3f: {  	_ =	shalt  }
0x40: {  	_ =	shalt  }
0x41: {  	_ =	shalt  }
0x42: {  	_ =	shalt  }
0x43: {  	_ =	shalt  }
0x44: {  	_ =	shalt  }
0x45: {  	_ =	shalt  }
0x46: {  	_ =	shalt  }
0x47: {  	_ =	shalt  }
0x48: {  	_ =	shalt  }
0x49: {  	_ =	shalt  }
0x4a: {  	_ =	shalt  }
0x4b: {  	_ =	shalt  }
0x4c: {  	_ =	shalt  }
0x4d: {  	_ =	shalt  }
0x4e: {  	_ =	shalt  }
0x4f: {  	_ =	shalt  }
0x50: {  	_ =	shalt  }
0x51: {  	_ =	shalt  }
0x52: {  	_ =	shalt  }
0x53: {  	_ =	shalt  }
0x54: {  	_ =	shalt  }
0x55: {  	_ =	shalt  }
0x56: {  	_ =	shalt  }
0x57: {  	_ =	shalt  }
0x58: {  	_ =	shalt  }
0x59: {  	_ =	shalt  }
0x5a: {  	_ =	shalt  }
0x5b: {  	_ =	shalt  }
0x5c: {  	_ =	shalt  }
0x5d: {  	_ =	shalt  }
0x5e: {  	_ =	shalt  }
0x5f: {  	_ =	shalt  }
0x60: {  	_ =	shalt  }
0x61: {  	_ =	shalt  }
0x62: {  	_ =	shalt  }
0x63: {  	_ =	shalt  }
0x64: {  	_ =	shalt  }
0x65: {  	_ =	shalt  }
0x66: {  	_ =	shalt  }
0x67: {  	_ =	shalt  }
0x68: {  	_ =	shalt  }
0x69: {  	_ =	shalt  }
0x6a: {  	_ =	shalt  }
0x6b: {  	_ =	shalt  }
0x6c: {  	_ =	shalt  }
0x6d: {  	_ =	shalt  }
0x6e: {  	_ =	shalt  }
0x6f: {  	_ =	shalt  }
0x70: {  	_ =	shalt  }
0x71: {  	_ =	shalt  }
0x72: {  	_ =	shalt  }
0x73: {  	_ =	shalt  }
0x74: {  	_ =	shalt  }
0x75: {  	_ =	shalt  }
0x76: {  	_ =	shalt  }
0x77: {  	_ =	shalt  }
0x78: {  	_ =	shalt  }
0x79: {  	_ =	shalt  }
0x7a: {  	_ =	shalt  }
0x7b: {  	_ =	shalt  }
0x7c: {  	_ =	shalt  }
0x7d: {  	_ =	shalt  }
0x7e: {  	_ =	shalt  }
0x7f: {  	_ =	shalt  }
0x80: {  	_ =	shalt  }
0x81: {  	_ =	shalt  }
0x82: {  	_ =	shalt  }
0x83: {  	_ =	shalt  }
0x84: {  	_ =	shalt  }
0x85: {  	_ =	shalt  }
0x86: {  	_ =	shalt  }
0x87: {  	_ =	shalt  }
.Lfunc_end0:
.L_simem_size_0:
called_computation_lowered:
.L_overlay_start_0:
0x88: {  	s2 =	sld [smem:$0x3FD9]  }
0x89: {  	s3 =	sld [smem:$0x3FFE];
	_ =	sdelay $0x1  }
0x8a: {  	s1 =	srdreg.scid  }
0x8b: {  	s0 =	sand.u32 $0x1, s1  }
0x8c: {  	s18 =	sshll.u32 s0, $0xA;
	s2 =	sadd.s32 s3, s2  }
0x8d: {  	s2 =	sadd.s32 s2, s18  }
0x8e: {  	[smem:$0x3FC5] =	sst s2  }
0x8f: {  	_ = 	snop  }
0x90: {  	s2 =	sld [smem:$0x3FC9]  }
0x91: {  	s19 =	sld [smem:$0x3FC8]  }
0x92: {  	s4 =	sld [smem:$0x3FC7]  }
0x93: {  	s5 =	sld [smem:$0x3FD0];
	(tm) =	ssettm $0x1  }
0x94: {  	s6 =	sld [smem:$0x3FFB];
	_ =	sdelay $0x3  }
0x95: {  	_ =	strace s6  }
0x96: {  	s6 =	sld [smem:$0x3FFC];
	_ =	sdelay $0x3  }
0x97: {  	_ =	strace s6  }
0x98: {  	s6 =	sld [smem:$0x3FFD];
	_ =	sdelay $0x3  }
0x99: {  	_ =	strace s6  }
0x9a: {  	_ =	strace $0x8FFFFFFF  }
0x9b: {  	s20 =	sld [smem:$0x3FDB];
	_ =	sdelay $0x1  }
0x9c: {  	s7 =	simm.s32 $_scs_section_size  }
0x9d: {  	s8 =	simm.s32 $_size__tile_overlayer_lowered;
	s9 =	simm.s32 $_tile_overlayer_lowered  }
0x9e: {  	s23 =	simm.s32 $0x1BFF;
	s22 =	sshll.u32 s9, $0x1;
	s6 =	sadd.s32 s7, s20  }
0x9f: {  	s10 =	simm.s32 $0x0;
	s21 =	sshll.u32 s8, $0x1;
	s8 =	sadd.s32 s22, s6  }
0xa0: {  	[timem:s10], [sflag:s23] =	dma.local [hbm:s8], s21  }
0xa1: {  	_ =	swait.ge [sflag:s23], s21  }
0xa2: {  	s7 =	ssub.s32 $0x0, s21;
	[sflag:s23] =	ssyncset.done $0x0  }
0xa3: {  	[sflag:s23] =	ssyncadd.s32 s7;
	_ =	sdelay $0x1  }
0xa4: {  	s24 =	simm.s32 $0x1B8B  }
0xa5: {  	_ =	swait.ge [sflag:s24], $0x1  }
0xa6: {  	[sflag:s24] =	ssyncset.done $0x0  }
0xa7: {  	s25 =	simm.s32 $0x1B8E;
	[sflag:s24] =	ssyncadd.s32 $0xFFFFFFFF  }
0xa8: {  	s26 =	simm.s32 $execute0_lowered;
	[smem:$0x3FD2] =	sst s25  }
0xa9: {  	s7 =	sshll.u32 s26, $0x1;
	_ =	strace $0x80000046;
	[dreg:$0x1] =	wrdreg $0xFFFFFFFF  }
0xaa: {  	s28 =	simm.s32 $_size_execute0_lowered;
	s6 =	sadd.s32 s6, s7;
	[dreg:$0x0] =	wrdreg $0x0  }
0xab: {  	s7 =	sshll.u32 s28, $0x1;
	[dreg:$0x2] =	wrdreg s6  }
0xac: {  	[dreg:$0x3] =	wrdreg s7  }
0xad: {  	[dreg:$0x4] =	wrdreg $0xC0  }
0xae: {  	_ =	task [dreg:s10], $0x5FFFF  }
0xaf: {  	[dreg:$0x1] =	wrdreg $0xFFFFFFFF  }
0xb0: {  	[dreg:$0x0] =	wrdreg $0x60  }
0xb1: {  	[dreg:$0x2] =	wrdreg s2  }
0xb2: {  	[dreg:$0x3] =	wrdreg s19  }
0xb3: {  	[dreg:$0x4] =	wrdreg s4  }
0xb4: {  	[dreg:$0x5] =	wrdreg s5  }
0xb5: {  	[dreg:$0x6] =	wrdreg $0x9  }
0xb6: {  	_ =	task.clear_ibuf [dreg:s10], $0x7FFFF;
	_ =	strace $0x90000046  }
0xb7: {  	s29 =	simm.s32 $0x9;
	_ =	strace $0x80000048  }
0xb8: {  	_ =	swait.ge [sflag:s29], $0x1  }
0xb9: {  	[sflag:s29] =	ssyncadd.s32 $0xFFFFFFFF  }
0xba: {  	_ =	strace $0x90000048  }
0xbb: {  	_ =	sfence  }
0xbc: {  	s30 =	sld [smem:$0x0];
	_ =	sdelay $0x2  }
0xbd: {  	s31 =	sshll.u32 s1, $0xD;
	s1 =	sshrl.u32 s1, $0x2  }
0xbe: {  	s3 =	sand.u32 $0x4000, s31;
	s1 =	sadd.s32 s1, s30  }
0xbf: {  	s0 =	sor.u32 s3, s0;
	s1 =	sshll.u32 s1, $0x11  }
0xc0: {  	s0 =	sor.u32 s1, s0  }
0xc1: {  	s0 =	sadd.s32 $0x8F2B, s0  }
0xc2: {  	[sflag:s0] =	ssyncadd.remote.s32 $0x1  }
0xc3: {  	_ =	sfence.sel $0xFFFF  }
0xc4: {  	[dreg:$0x0] =	wrdreg $0xFFFFFFFF;
	(pc) =	sbr.abs _section_cstart, $3  }
0xc5: {  	[dreg:$0x1] =	wrdreg $0xFFFFFFFF  }
0xc6: {  	_ =	task.clear_ibuf [dreg:s10], $0x2FFFF;
	_ =	strace $0x9FFFFFFF  }
0xc7: {  	(tm) =	ssettm $0x7FFFFFFF  }
tec
execute0_lowered:
.L_overlay_start_1:
0x0: {  	(tag) =	ssettag $0x1  }
0x1: {  	s1 =	rddreg [dreg:$0x0]  }
0x2: {  	s4 =	rddreg [dreg:$0x1]  }
0x3: {  	s5 =	rddreg [dreg:$0x2];
	s2 =	srdreg.scid  }
0x4: {  	s0 =	stileid.u32;
	s6 =	rddreg [dreg:$0x3];
	s3 =	simm.s32 $0x0  }
0x5: {  	s10 =	simm.s32 $0x4E20;
	s11 =	simm.s32 $0x9D00;
	s12 =	simm.s32 $0xEB80  }
0x6: {  	s13 =	simm.s32 $0x1;
	s7 =	sand.u32 $0x1, s2;
	s8 =	sshll.u32 s0, $0x1  }
0x7: {  	s14 =	simm.s32 $0x0;
	s8 =	sor.u32 s7, s8;
	s7 =	ssub.s32 $0x2, s7  }
0x8: {  	[smem:$0x7FF] =	sst s3;
	s8 =	smul.u32 $0x9C4, s8;
	s9 =	sshrl.u32 s7, $0x1  }
0x9: {  	s2 =	rddreg [dreg:$0x4];
	_ =	strace $0x80000047;
	s7 =	ssub.s32 s7, s9  }
0xa: {  	s9 =	simm.s32 $0x4E80;
	s4 =	sadd.s32 s4, s8;
	s5 =	sadd.s32 s5, s8  }
0xb: {  	s6 =	sadd.s32 s6, s8;
	s7 =	smax.u32 s7, $0x1;
	s8 =	simm.s32 $0x2  }
.LBB2_1:
0xc: {  	[tilespmem:s3], [sflag:$0x2] =	stream.linear.gather [hbm4b:s4+s3], $0x4E20, $0x38;
	[tilespmem:$0x13A00] =	vst v63  }
0xd: {  	_ =	swait.ge [sflag:s8], $0x4E20  }
0xe: {  	[sflag:s8] =	ssyncset.done $0x0  }
0xf: {  	[sflag:s8] =	ssyncadd.s32 $0xFFFFB1E0  }
0x10: {  	[tilespmem:s9], [sflag:$0x2] =	stream.linear.gather [hbm4b:s5+s3], $0x4E20, $0x38;
	[tilespmem:$0x13A00] =	vst v63  }
0x11: {  	_ =	swait.ge [sflag:s8], $0x4E20  }
0x12: {  	[sflag:s8] =	ssyncset.done $0x0  }
0x13: {  	s17 =	simm.s32 $0x40;
	[sflag:s8] =	ssyncadd.s32 $0xFFFFB1E0  }
0x14: {  	v0 =	vld [tilespmem:s17+$0xFFFFFFC0]  }
0x15: {  	s15 =	simm.s32 $0x4EC0  }
0x16: {  	v1 =	vld [tilespmem:s15+$0xFFFFFFC0];
	_ =	sdelay $0x2  }
0x17: {  	v0 =	vmul.u32 $0x2710, v0;
	_ =	sdelay $0x1  }
0x18: {  	s16 =	simm.s32 $0x9D40;
	v0 =	vadd.s32 v1, v0  }
0x19: {  	[tilespmem:s16+$0xFFFFFFC0] =	vst v0  }
0x1a: {  	v0 =	vld [tilespmem:s17+$0xFFFFFFD0];
	_ =	sdelay $0x1  }
0x1b: {  	v57 =	vld [tilespmem:s15+$0xFFFFFFD0];
	_ =	sdelay $0x2  }
0x1c: {  	v0 =	vmul.u32 $0x2710, v0;
	_ =	sdelay $0x1  }
0x1d: {  	v0 =	vadd.s32 v57, v0  }
0x1e: {  	[tilespmem:s16+$0xFFFFFFD0] =	vst v0  }
0x1f: {  	v0 =	vld [tilespmem:s17+$0xFFFFFFE0];
	_ =	sdelay $0x1  }
0x20: {  	v58 =	vld [tilespmem:s15+$0xFFFFFFE0];
	_ =	sdelay $0x2  }
0x21: {  	v0 =	vmul.u32 $0x2710, v0;
	_ =	sdelay $0x1  }
0x22: {  	v0 =	vadd.s32 v58, v0  }
0x23: {  	[tilespmem:s16+$0xFFFFFFE0] =	vst v0  }
0x24: {  	v0 =	vld [tilespmem:s17+$0xFFFFFFF0];
	_ =	sdelay $0x1  }
0x25: {  	v59 =	vld [tilespmem:s15+$0xFFFFFFF0];
	_ =	sdelay $0x2  }
0x26: {  	v0 =	vmul.u32 $0x2710, v0;
	_ =	sdelay $0x1  }
0x27: {  	v0 =	vadd.s32 v59, v0  }
0x28: {  	[tilespmem:s16+$0xFFFFFFF0] =	vst v0  }
0x29: {  	v0 =	vld [tilespmem:s17+$0x0];
	_ =	sdelay $0x1  }
0x2a: {  	v60 =	vld [tilespmem:s15+$0x0];
	_ =	sdelay $0x2  }
0x2b: {  	v0 =	vmul.u32 $0x2710, v0;
	_ =	sdelay $0x1  }
0x2c: {  	v0 =	vadd.s32 v60, v0  }
0x2d: {  	[tilespmem:s16+$0x0] =	vst v0  }
0x2e: {  	v0 =	vld [tilespmem:s17+$0x10];
	_ =	sdelay $0x1  }
0x2f: {  	v61 =	vld [tilespmem:s15+$0x10];
	_ =	sdelay $0x2  }
0x30: {  	v0 =	vmul.u32 $0x2710, v0;
	_ =	sdelay $0x1  }
0x31: {  	v0 =	vadd.s32 v61, v0  }
0x32: {  	[tilespmem:s16+$0x10] =	vst v0  }
0x33: {  	v0 =	vld [tilespmem:s17+$0x20];
	_ =	sdelay $0x1  }
0x34: {  	v62 =	vld [tilespmem:s15+$0x20];
	_ =	sdelay $0x2  }
0x35: {  	v0 =	vmul.u32 $0x2710, v0;
	_ =	sdelay $0x1  }
0x36: {  	v0 =	vadd.s32 v62, v0  }
0x37: {  	[tilespmem:s16+$0x20] =	vst v0  }
0x38: {  	v0 =	vld [tilespmem:s17+$0x30];
	_ =	sdelay $0x1  }
0x39: {  	v63 =	vld [tilespmem:s15+$0x30];
	_ =	sdelay $0x2  }
0x3a: {  	v0 =	vmul.u32 $0x2710, v0;
	_ =	sdelay $0x1  }
0x3b: {  	v0 =	vadd.s32 v63, v0  }
0x3c: {  	s18 =	simm.s32 $0xC0;
	s17 =	simm.s32 $0x0;
	[tilespmem:s16+$0x30] =	vst v0  }
.LBB2_2:
0x3d: {  	v0 =	vld [tilespmem:s18+$0xFFFFFFC0];
	s17 =	sadd.s32 $0x8, s17;
	s15 =	sadd.s32 $0x80, s15  }
0x3e: {  	v1 =	vld [tilespmem:s15+$0xFFFFFFC0];
	p0 =	slt.u32 s17, $0x4D8;
	_ =	sdelay $0x3  }
0x3f: {  	v0 =	vmul.u32 $0x2710, v0;
	_ =	sdelay $0x1  }
0x40: {  	s16 =	sadd.s32 $0x80, s16;
	v0 =	vadd.s32 v1, v0  }
0x41: {  	[tilespmem:s16+$0xFFFFFFC0] =	vst v0  }
0x42: {  	v0 =	vld [tilespmem:s18+$0xFFFFFFD0];
	_ =	sdelay $0x1  }
0x43: {  	v1 =	vld [tilespmem:s15+$0xFFFFFFD0];
	_ =	sdelay $0x2  }
0x44: {  	v0 =	vmul.u32 $0x2710, v0;
	_ =	sdelay $0x1  }
0x45: {  	v0 =	vadd.s32 v1, v0  }
0x46: {  	[tilespmem:s16+$0xFFFFFFD0] =	vst v0  }
0x47: {  	v0 =	vld [tilespmem:s18+$0xFFFFFFE0];
	_ =	sdelay $0x1  }
0x48: {  	v1 =	vld [tilespmem:s15+$0xFFFFFFE0];
	_ =	sdelay $0x2  }
0x49: {  	v0 =	vmul.u32 $0x2710, v0;
	_ =	sdelay $0x1  }
0x4a: {  	v0 =	vadd.s32 v1, v0  }
0x4b: {  	[tilespmem:s16+$0xFFFFFFE0] =	vst v0  }
0x4c: {  	v0 =	vld [tilespmem:s18+$0xFFFFFFF0];
	_ =	sdelay $0x1  }
0x4d: {  	v1 =	vld [tilespmem:s15+$0xFFFFFFF0];
	_ =	sdelay $0x2  }
0x4e: {  	v0 =	vmul.u32 $0x2710, v0;
	_ =	sdelay $0x1  }
0x4f: {  	v0 =	vadd.s32 v1, v0  }
0x50: {  	[tilespmem:s16+$0xFFFFFFF0] =	vst v0  }
0x51: {  	v0 =	vld [tilespmem:s18+$0x0];
	_ =	sdelay $0x1  }
0x52: {  	v1 =	vld [tilespmem:s15+$0x0];
	_ =	sdelay $0x2  }
0x53: {  	v0 =	vmul.u32 $0x2710, v0;
	_ =	sdelay $0x1  }
0x54: {  	v0 =	vadd.s32 v1, v0  }
0x55: {  	[tilespmem:s16+$0x0] =	vst v0  }
0x56: {  	v0 =	vld [tilespmem:s18+$0x10];
	_ =	sdelay $0x1  }
0x57: {  	v1 =	vld [tilespmem:s15+$0x10];
	_ =	sdelay $0x2  }
0x58: {  	v0 =	vmul.u32 $0x2710, v0;
	_ =	sdelay $0x1  }
0x59: {  	v0 =	vadd.s32 v1, v0  }
0x5a: {  	[tilespmem:s16+$0x10] =	vst v0  }
0x5b: {  	v0 =	vld [tilespmem:s18+$0x20]  }
0x5c: {  	v1 =	vld [tilespmem:s15+$0x20];
	_ =	sdelay $0x3  }
0x5d: {  	v0 =	vmul.u32 $0x2710, v0;
	_ =	sdelay $0x1  }
0x5e: {  	v0 =	vadd.s32 v1, v0  }
0x5f: {  	[tilespmem:s16+$0x20] =	vst v0  }
0x60: {  	v0 =	vld [tilespmem:s18+$0x30]  }
0x61: {  	v1 =	vld [tilespmem:s15+$0x30];
	_ =	sdelay $0x2  }
.Ltmp0:
0x62: {  	(pc) =	sbr.rel @p0 .LBB2_2-.Ltmp0, $3  }
0x63: {  	v0 =	vmul.u32 $0x2710, v0;
	_ =	sdelay $0x1  }
0x64: {  	v0 =	vadd.s32 v1, v0  }
0x65: {  	s18 =	sadd.s32 $0x80, s18;
	[tilespmem:s16+$0x30] =	vst v0  }
0x66: {  	v0 =	vld [tilespmem:$0x4E00]  }
0x67: {  	v1 =	vld [tilespmem:$0x4E10]  }
0x68: {  	v2 =	vld [tilespmem:$0x9C80]  }
0x69: {  	v3 =	vld [tilespmem:$0x9C90];
	_ =	sdelay $0x1  }
0x6a: {  	v0 =	vmul.u32 $0x2710, v0  }
0x6b: {  	v1 =	vmul.u32 $0x2710, v1  }
0x6c: {  	v0 =	vadd.s32 v2, v0  }
0x6d: {  	v63 =	vadd.s32 v3, v1;
	[tilespmem:$0xEB00] =	vst v0  }
0x6e: {  	[tilespmem:$0xEB10] =	vst v63  }
0x6f: {  	[tilespmem:s12], [sflag:$0x1] =	stream.indirect.gather [hbm4b:s1+s10], $0x1, s11, s10, $0xb8;
	[tilespmem:$0x13A00] =	vst v63  }
0x70: {  	s14 =	sadd.s32 $0x1, s14;
	_ =	swait.ge [sflag:s13], $0x4E20  }
0x71: {  	p0 =	sne.s32 s14, s7;
	[sflag:s13] =	ssyncset.done $0x0  }
.Ltmp1:
0x72: {  	[sflag:s13] =	ssyncadd.s32 $0xFFFFB1E0;
	(pc) =	sbr.rel @p0 .LBB2_1-.Ltmp1, $4  }
0x73: {  	[hbm4b:s6+s3] =	stream.linear.scatter [tilespmem:s12], [sflag:$0x2], $0x4E20, $0x38;
	[tilespmem:$0x13A00] =	vst v63  }
0x74: {  	_ =	swait.ge [sflag:s8], $0x4E20  }
0x75: {  	[sflag:s8] =	ssyncset.done $0x0  }
0x76: {  	[sflag:s8] =	ssyncadd.s32 $0xFFFFB1E0  }
0x77: {  	_ =	sfence.sel $0x180000  }
0x78: {  	[bflag:$0x0] =	sbarrier.arrive $0xFFFF  }
0x79: {  	p0 =	sne.s32 s0, $0x0;
	_ =	strace $0x90000047  }
0x7a: {  	s0 =	sadd.s32 @!p0 $0x100000, s2;
	[bflag:$0x2] =	sbarrier.arrive $0xFFFF  }
0x7b: {  	[sflag:s0] =	ssyncadd.tile.s32 @!p0 $0x1;
	_ =	shalt  }
.Lfunc_end2:
_tile_overlayer_lowered:
.L_overlay_start_2:
0x7c: {  	(tag) =	ssettag $0x2  }
0x7d: {  	s0 =	rddreg [dreg:$0x0];
	s2 =	stileid.u32  }
0x7e: {  	s1 =	rddreg [dreg:$0x1];
	p0 =	sne.s32 s2, $0x0  }
0x7f: {  	s3 =	rddreg [dreg:$0x2];
	[bflag:$0x3] =	sbarrier.arrive $0xFFFF;
	s2 =	simm.s32 @!p0 $0x1C02  }
0x80: {  	[timem:s3], [sflag:s2] =	dma.local @!p0 [hbm:s0], s1  }
0x81: {  	s0 =	simm.s32 @!p0 $0x2  }
0x82: {  	_ =	swait.ge @!p0 [sflag:s0], s1  }
0x83: {  	s1 =	ssub.s32 @!p0 $0x0, s1;
	[sflag:s0] =	ssyncset.done @!p0 $0x0  }
0x84: {  	[sflag:s0] =	ssyncadd.s32 @!p0 s1  }
0x85: {  	[bflag:$0x3] =	sbarrier.arrive $0xFFFF  }
0x86: {  	_ =	shalt  }

</sc_bundles>
